<compile_context>
chip_gen: v7x
topology: tpu7x:2x2x1
jax: 0.10.2.dev20260603
libtpu: 0.0.44.dev20260713+nightly
codegen_flags: <defaults>
</compile_context>

<pallas_src>
import functools

import jax
import jax.numpy as jnp
from jax import lax
from jax.experimental import pallas as pl
from jax.experimental.pallas import tpu as pltpu
from jax.experimental.pallas import tpu_sc as plsc

_B = 16384
_F = 26
_V = 100000
_D = 32

_NC = 2
_NS = 16
_NW = _NC * _NS
_ROWS = _B * _F
_RPW = _ROWS // _NW
_CHUNK = 128
_NCHUNK = _RPW // _CHUNK

_BB = 1024
_H1 = 256
_H2 = 128


def _sc_gather(table_flat, idx3):
    mesh = plsc.VectorSubcoreMesh(core_axis_name="c", subcore_axis_name="s")

    @functools.partial(
        pl.kernel,
        out_type=jax.ShapeDtypeStruct((_ROWS, _D), jnp.float32),
        mesh=mesh,
        scratch_types=[
            pltpu.VMEM((_NCHUNK, _CHUNK), jnp.int32),
            pltpu.VMEM((2, _CHUNK, _D), jnp.float32),
            pltpu.SemaphoreType.DMA,
            pltpu.SemaphoreType.DMA,
        ],
        compiler_params=pltpu.CompilerParams(use_tc_tiling_on_sc=False),
    )
    def k(table_hbm, idx_hbm, out_hbm, idx_v, rows_v, gsem, osem):
        wid = lax.axis_index("s") * _NC + lax.axis_index("c")
        base = wid * _RPW
        pltpu.sync_copy(idx_hbm.at[wid], idx_v)

        first = pltpu.async_copy(table_hbm.at[idx_v.at[0]], rows_v.at[0], gsem)
        first.wait()

        def body(j, _):
            slot = lax.rem(j, 2)
            nxt = lax.rem(j + 1, 2)

            @pl.when(j + 1 < _NCHUNK)
            def _():
                pltpu.async_copy(
                    table_hbm.at[idx_v.at[j + 1]], rows_v.at[nxt], gsem
                ).wait()

            pltpu.async_copy(
                rows_v.at[slot],
                out_hbm.at[pl.ds(base + j * _CHUNK, _CHUNK)],
                osem,
            ).wait()
            return 0

        lax.fori_loop(0, _NCHUNK, body, 0)

    return k(table_flat, idx3)


def _tc_mlp(emb, W1c, b1c, W2b, b2c, W3b, b3c):

    def body(x_ref, w1_ref, b1_ref, w2_ref, b2_ref, w3_ref, b3_ref, o_ref):
        x = x_ref[...]
        h = jnp.dot(x, w1_ref[...], preferred_element_type=jnp.float32)
        h = jnp.maximum(h + b1_ref[...], 0.0)
        h = jnp.dot(h, w2_ref[...], preferred_element_type=jnp.float32)
        h = jnp.maximum(h + b2_ref[...], 0.0)
        logits = jnp.dot(h, w3_ref[...], preferred_element_type=jnp.float32)
        p = jax.nn.sigmoid(logits + b3_ref[...])
        pc = p[:, 0:1]
        pv = p[:, 1:2]
        o_ref[...] = jnp.concatenate([pc, pc * pv], axis=1)

    grid = (_B // _BB,)
    return pl.pallas_call(
        body,
        grid=grid,
        in_specs=[
            pl.BlockSpec((_BB, _F * _D), lambda i: (i, 0)),
            pl.BlockSpec((_F * _D, 2 * _H1), lambda i: (0, 0)),
            pl.BlockSpec((1, 2 * _H1), lambda i: (0, 0)),
            pl.BlockSpec((2 * _H1, 2 * _H2), lambda i: (0, 0)),
            pl.BlockSpec((1, 2 * _H2), lambda i: (0, 0)),
            pl.BlockSpec((2 * _H2, 2), lambda i: (0, 0)),
            pl.BlockSpec((1, 2), lambda i: (0, 0)),
        ],
        out_specs=pl.BlockSpec((_BB, 2), lambda i: (i, 0)),
        out_shape=jax.ShapeDtypeStruct((_B, 2), jnp.float32),
    )(emb, W1c, b1c, W2b, b2c, W3b, b3c)


def kernel(indices, tables,
           ctr_W1, ctr_b1, ctr_W2, ctr_b2, ctr_W3, ctr_b3,
           cvr_W1, cvr_b1, cvr_W2, cvr_b2, cvr_W3, cvr_b3):
    idx = indices.astype(jnp.int32)
    flat = idx.T + (jnp.arange(_F, dtype=jnp.int32) * _V)[None, :]
    idx3 = flat.reshape(_NW, _NCHUNK, _CHUNK)

    table_flat = tables.reshape(_F * _V, _D)

    rows = _sc_gather(table_flat, idx3)
    emb = rows.reshape(_B, _F * _D)

    W1c = jnp.concatenate([ctr_W1, cvr_W1], axis=1)
    b1c = jnp.concatenate([ctr_b1, cvr_b1])[None, :]
    z21 = jnp.zeros((_H1, _H2), jnp.float32)
    W2b = jnp.concatenate(
        [jnp.concatenate([ctr_W2, z21], axis=1),
         jnp.concatenate([z21, cvr_W2], axis=1)], axis=0)
    b2c = jnp.concatenate([ctr_b2, cvr_b2])[None, :]
    z31 = jnp.zeros((_H2, 1), jnp.float32)
    W3b = jnp.concatenate(
        [jnp.concatenate([ctr_W3, z31], axis=1),
         jnp.concatenate([z31, cvr_W3], axis=1)], axis=0)
    b3c = jnp.concatenate([ctr_b3, cvr_b3])[None, :]

    return _tc_mlp(emb, W1c, b1c, W2b, b2c, W3b, b3c)

# --- scband reference (transcript-rebuilt; emitter-appended) ---
"""Pipeline reference for scband-esmm-42185168781614 (READ-ONLY COPY).

The authoritative reference and input builder live on the scoring server;
editing this copy changes nothing except your own understanding.
"""

import jax, jax.numpy as jnp
import numpy as np

B = 16384
F = 26
V = 100000
D = 32


def _init_mlp(key, d_in):
    k1, k2, k3 = jax.random.split(key, 3)
    W1 = jax.random.normal(k1, (d_in, 256), jnp.float32) * (1.0 / np.sqrt(d_in))
    b1 = jnp.zeros((256,), jnp.float32)
    W2 = jax.random.normal(k2, (256, 128), jnp.float32) * (1.0 / np.sqrt(256))
    b2 = jnp.zeros((128,), jnp.float32)
    W3 = jax.random.normal(k3, (128, 1), jnp.float32) * (1.0 / np.sqrt(128))
    b3 = jnp.zeros((1,), jnp.float32)
    return W1, b1, W2, b2, W3, b3


def setup_inputs(seed: int = 0):
    key = jax.random.key(seed)
    k_idx, k_tab, k_ctr, k_cvr = jax.random.split(key, 4)
    indices = jax.random.randint(k_idx, (F, B), 0, V, dtype=jnp.int64 if jax.config.jax_enable_x64 else jnp.int32)
    tables = jax.random.normal(k_tab, (F, V, D), jnp.float32) * 0.05
    ctr_W1, ctr_b1, ctr_W2, ctr_b2, ctr_W3, ctr_b3 = _init_mlp(k_ctr, F * D)
    cvr_W1, cvr_b1, cvr_W2, cvr_b2, cvr_W3, cvr_b3 = _init_mlp(k_cvr, F * D)
    return {
        'indices': indices,
        'tables': tables,
        'ctr_W1': ctr_W1, 'ctr_b1': ctr_b1, 'ctr_W2': ctr_W2, 'ctr_b2': ctr_b2, 'ctr_W3': ctr_W3, 'ctr_b3': ctr_b3,
        'cvr_W1': cvr_W1, 'cvr_b1': cvr_b1, 'cvr_W2': cvr_W2, 'cvr_b2': cvr_b2, 'cvr_W3': cvr_W3, 'cvr_b3': cvr_b3,
    }


def _mlp(x, W1, b1, W2, b2, W3, b3):
    h = jax.nn.relu(x @ W1 + b1)
    h = jax.nn.relu(h @ W2 + b2)
    return jax.nn.sigmoid(h @ W3 + b3)


def reference(indices, tables,
              ctr_W1, ctr_b1, ctr_W2, ctr_b2, ctr_W3, ctr_b3,
              cvr_W1, cvr_b1, cvr_W2, cvr_b2, cvr_W3, cvr_b3):
    # per-field embedding lookup (one table per sparse feature), then concat
    emb = jax.vmap(lambda t, i: jnp.take(t, i, axis=0))(tables, indices)  # [F, B, D]
    emb = jnp.transpose(emb, (1, 0, 2)).reshape(B, F * D)  # concat + squeeze
    p_ctr = _mlp(emb, ctr_W1, ctr_b1, ctr_W2, ctr_b2, ctr_W3, ctr_b3)
    p_cvr = _mlp(emb, cvr_W1, cvr_b1, cvr_W2, cvr_b2, cvr_W3, cvr_b3)
    p_ctcvr = p_cvr * p_ctr
    return jnp.concatenate([p_ctr, p_ctcvr], axis=-1)

if __name__ == "__main__":
    import jax
    _d = setup_inputs()
    print(jax.jit(kernel)(*tuple(_d.values())))

</pallas_src>

<mosaic_0001>
#map = affine_map<(d0, d1) -> (0, 0)>
#map1 = affine_map<(d0, d1) -> (0, 0, 0)>
module attributes {stable_mosaic.version = 14 : i64} {
  func.func @k(%arg0: i32, %arg1: i32, %arg2: memref<2600000x32xf32, #tpu.memory_space<hbm>>, %arg3: memref<32x104x128xi32, #tpu.memory_space<hbm>>, %arg4: memref<425984x32xf32, #tpu.memory_space<hbm>>, %arg5: memref<104x128xi32, #tpu.memory_space<vmem>>, %arg6: memref<2x128x32xf32, #tpu.memory_space<vmem>>, %arg7: memref<!tpu.dma_semaphore, #tpu.memory_space<semaphore_mem>>, %arg8: memref<!tpu.dma_semaphore, #tpu.memory_space<semaphore_mem>>) attributes {dimension_semantics = [#tpu.dimension_semantics<core_parallel>, #tpu.dimension_semantics<subcore_parallel>], iteration_bounds = array<i64: 2, 16>, scalar_prefetch = 0 : i64, scratch_operands = 4 : i64, tpu.core_type = #tpu.core_type<sc_vector_subcore>, window_params = [{transform_indices = #map}, {transform_indices = #map1}, {transform_indices = #map}]} {
    %mul3A = arith.constant 2 : i32
    %mul3A_0 = arith.muli %arg1, %mul3A : i32
    %add3A = arith.addi %mul3A_0, %arg0 : i32
    %mul3A_1 = arith.constant 13312 : i32
    %mul3A_2 = arith.muli %add3A, %mul3A_1 : i32
    "tpu.region"() ({
      %run_scoped3A = tpu.sem_alloc : memref<!tpu.dma_semaphore, #tpu.memory_space<semaphore_mem>>
      %dma_start3A_31 = arith.constant 0 : i32
      %dma_start3A_32 = arith.constant 0 : i32
      %dma_start3A_33 = tpu.memref_slice %arg3[%add3A, %dma_start3A_31, %dma_start3A_32] : memref<32x104x128xi32, #tpu.memory_space<hbm>> -> memref<1x104x128xi32, #tpu.memory_space<hbm>>
      %dma_start3A_34 = tpu.memref_squeeze %dma_start3A_33 : memref<1x104x128xi32, #tpu.memory_space<hbm>> -> memref<104x128xi32, #tpu.memory_space<hbm>>
      %dma_start3A_35 = arith.constant 0 : i32
      %dma_start3A_36 = arith.constant 0 : i32
      %dma_start3A_37 = tpu.memref_slice %arg3[%add3A, %dma_start3A_35, %dma_start3A_36] : memref<32x104x128xi32, #tpu.memory_space<hbm>> -> memref<1x104x128xi32, #tpu.memory_space<hbm>>
      %dma_start3A_38 = tpu.memref_squeeze %dma_start3A_37 : memref<1x104x128xi32, #tpu.memory_space<hbm>> -> memref<104x128xi32, #tpu.memory_space<hbm>>
      tpu.enqueue_dma source(%dma_start3A_38 : memref<104x128xi32, #tpu.memory_space<hbm>>) target(%arg5 : memref<104x128xi32, #tpu.memory_space<vmem>>) target_semaphore(%run_scoped3A : memref<!tpu.dma_semaphore, #tpu.memory_space<semaphore_mem>>)
      %dma_wait3A_39 = arith.constant 0 : i32
      %dma_wait3A_40 = arith.constant 0 : i32
      %dma_wait3A_41 = tpu.memref_slice %arg3[%add3A, %dma_wait3A_39, %dma_wait3A_40] : memref<32x104x128xi32, #tpu.memory_space<hbm>> -> memref<1x104x128xi32, #tpu.memory_space<hbm>>
      %dma_wait3A_42 = tpu.memref_squeeze %dma_wait3A_41 : memref<1x104x128xi32, #tpu.memory_space<hbm>> -> memref<104x128xi32, #tpu.memory_space<hbm>>
      %dma_wait3A_43 = arith.constant 0 : i32
      %dma_wait3A_44 = arith.constant 0 : i32
      %dma_wait3A_45 = tpu.memref_slice %arg3[%add3A, %dma_wait3A_43, %dma_wait3A_44] : memref<32x104x128xi32, #tpu.memory_space<hbm>> -> memref<1x104x128xi32, #tpu.memory_space<hbm>>
      %dma_wait3A_46 = tpu.memref_squeeze %dma_wait3A_45 : memref<1x104x128xi32, #tpu.memory_space<hbm>> -> memref<104x128xi32, #tpu.memory_space<hbm>>
      tpu.wait_dma2 semaphore(%run_scoped3A : memref<!tpu.dma_semaphore, #tpu.memory_space<semaphore_mem>>) src(%dma_wait3A_46 : memref<104x128xi32, #tpu.memory_space<hbm>>) dst(%arg5 : memref<104x128xi32, #tpu.memory_space<vmem>>)
      tpu.yield
    }) : () -> ()
    %dma_start3A = arith.constant 0 : i32
    %dma_start3A_3 = arith.constant 0 : i32
    %dma_start3A_4 = arith.constant 0 : i32
    %dma_start3A_5 = arith.constant 0 : i32
    %dma_start3A_6 = tpu.memref_slice %arg6[%dma_start3A_3, %dma_start3A_4, %dma_start3A_5] : memref<2x128x32xf32, #tpu.memory_space<vmem>> -> memref<1x128x32xf32, #tpu.memory_space<vmem>>
    %dma_start3A_7 = tpu.memref_squeeze %dma_start3A_6 : memref<1x128x32xf32, #tpu.memory_space<vmem>> -> memref<128x32xf32, #tpu.memory_space<vmem>>
    %dma_start3A_8 = arith.constant 0 : i32
    %dma_start3A_9 = tpu.memref_slice %arg5[%dma_start3A, %dma_start3A_8] : memref<104x128xi32, #tpu.memory_space<vmem>> -> memref<1x128xi32, #tpu.memory_space<vmem>>
    %dma_start3A_10 = tpu.memref_squeeze %dma_start3A_9 : memref<1x128xi32, #tpu.memory_space<vmem>> -> memref<128xi32, #tpu.memory_space<vmem>>
    %dma_start3A_11 = arith.constant 0 : i32
    %dma_start3A_12 = arith.constant 0 : i32
    %dma_start3A_13 = tpu.memref_slice %arg2[%dma_start3A_11, %dma_start3A_12] : memref<2600000x32xf32, #tpu.memory_space<hbm>> -> memref<2600000x32xf32, #tpu.memory_space<hbm>>
    tpu.enqueue_indirect_dma source(%dma_start3A_13 : memref<2600000x32xf32, #tpu.memory_space<hbm>>) target(%dma_start3A_7 : memref<128x32xf32, #tpu.memory_space<vmem>>) offsets(%dma_start3A_10 : memref<128xi32, #tpu.memory_space<vmem>>) semaphore(%arg7 : memref<!tpu.dma_semaphore, #tpu.memory_space<semaphore_mem>>)
    %dma_wait3A = arith.constant 0 : i32
    %dma_wait3A_14 = arith.constant 0 : i32
    %dma_wait3A_15 = arith.constant 0 : i32
    %dma_wait3A_16 = arith.constant 0 : i32
    %dma_wait3A_17 = tpu.memref_slice %arg6[%dma_wait3A_14, %dma_wait3A_15, %dma_wait3A_16] : memref<2x128x32xf32, #tpu.memory_space<vmem>> -> memref<1x128x32xf32, #tpu.memory_space<vmem>>
    %dma_wait3A_18 = tpu.memref_squeeze %dma_wait3A_17 : memref<1x128x32xf32, #tpu.memory_space<vmem>> -> memref<128x32xf32, #tpu.memory_space<vmem>>
    %dma_wait3A_19 = arith.constant 0 : i32
    %dma_wait3A_20 = tpu.memref_slice %arg5[%dma_wait3A, %dma_wait3A_19] : memref<104x128xi32, #tpu.memory_space<vmem>> -> memref<1x128xi32, #tpu.memory_space<vmem>>
    %dma_wait3A_21 = tpu.memref_squeeze %dma_wait3A_20 : memref<1x128xi32, #tpu.memory_space<vmem>> -> memref<128xi32, #tpu.memory_space<vmem>>
    %dma_wait3A_22 = arith.constant 0 : i32
    %dma_wait3A_23 = arith.constant 0 : i32
    %dma_wait3A_24 = tpu.memref_slice %arg2[%dma_wait3A_22, %dma_wait3A_23] : memref<2600000x32xf32, #tpu.memory_space<hbm>> -> memref<2600000x32xf32, #tpu.memory_space<hbm>>
    tpu.wait_indirect_dma semaphore(%arg7 : memref<!tpu.dma_semaphore, #tpu.memory_space<semaphore_mem>>) src(%dma_wait3A_24 : memref<2600000x32xf32, #tpu.memory_space<hbm>>) dst(%dma_wait3A_18 : memref<128x32xf32, #tpu.memory_space<vmem>>)
    %scan3A = arith.constant 0 : i32
    %scan3A_25 = arith.constant 0 : i32
    %scan3A_26 = arith.constant 104 : i32
    %scan3A_27 = arith.addi %scan3A_25, %scan3A_26 : i32
    %scan3A_28 = arith.constant 1 : i32
    %scan3A_29 = scf.for %scan3A_31 = %scan3A_25 to %scan3A_27 step %scan3A_28 iter_args(%scan3A_32 = %scan3A) -> (i32)  : i32 {
      %rem3A = arith.constant 2 : i32
      %rem3A_33 = arith.remsi %scan3A_31, %rem3A : i32
      %add3A_34 = arith.constant 1 : i32
      %add3A_35 = arith.addi %scan3A_31, %add3A_34 : i32
      %rem3A_36 = arith.constant 2 : i32
      %rem3A_37 = arith.remsi %add3A_35, %rem3A_36 : i32
      %add3A_38 = arith.constant 1 : i32
      %add3A_39 = arith.addi %scan3A_31, %add3A_38 : i32
      %lt3A = arith.constant 104 : i32
      %lt3A_40 = arith.cmpi slt, %add3A_39, %lt3A : i32
      %convert_element_type3A = arith.extui %lt3A_40 : i1 to i32
      %cond3A = arith.constant 0 : i32
      %cond3A_41 = arith.cmpi ne, %convert_element_type3A, %cond3A : i32
      scf.if %cond3A_41 {
        %add3A_70 = arith.constant 1 : i32
        %add3A_71 = arith.addi %scan3A_31, %add3A_70 : i32
        %dma_start3A_72 = arith.constant 0 : i32
        %dma_start3A_73 = arith.constant 0 : i32
        %dma_start3A_74 = tpu.memref_slice %arg6[%rem3A_37, %dma_start3A_72, %dma_start3A_73] : memref<2x128x32xf32, #tpu.memory_space<vmem>> -> memref<1x128x32xf32, #tpu.memory_space<vmem>>
        %dma_start3A_75 = tpu.memref_squeeze %dma_start3A_74 : memref<1x128x32xf32, #tpu.memory_space<vmem>> -> memref<128x32xf32, #tpu.memory_space<vmem>>
        %dma_start3A_76 = arith.constant 0 : i32
        %dma_start3A_77 = tpu.memref_slice %arg5[%add3A_71, %dma_start3A_76] : memref<104x128xi32, #tpu.memory_space<vmem>> -> memref<1x128xi32, #tpu.memory_space<vmem>>
        %dma_start3A_78 = tpu.memref_squeeze %dma_start3A_77 : memref<1x128xi32, #tpu.memory_space<vmem>> -> memref<128xi32, #tpu.memory_space<vmem>>
        %dma_start3A_79 = arith.constant 0 : i32
        %dma_start3A_80 = arith.constant 0 : i32
        %dma_start3A_81 = tpu.memref_slice %arg2[%dma_start3A_79, %dma_start3A_80] : memref<2600000x32xf32, #tpu.memory_space<hbm>> -> memref<2600000x32xf32, #tpu.memory_space<hbm>>
        tpu.enqueue_indirect_dma source(%dma_start3A_81 : memref<2600000x32xf32, #tpu.memory_space<hbm>>) target(%dma_start3A_75 : memref<128x32xf32, #tpu.memory_space<vmem>>) offsets(%dma_start3A_78 : memref<128xi32, #tpu.memory_space<vmem>>) semaphore(%arg7 : memref<!tpu.dma_semaphore, #tpu.memory_space<semaphore_mem>>)
        %dma_wait3A_82 = arith.constant 0 : i32
        %dma_wait3A_83 = arith.constant 0 : i32
        %dma_wait3A_84 = tpu.memref_slice %arg6[%rem3A_37, %dma_wait3A_82, %dma_wait3A_83] : memref<2x128x32xf32, #tpu.memory_space<vmem>> -> memref<1x128x32xf32, #tpu.memory_space<vmem>>
        %dma_wait3A_85 = tpu.memref_squeeze %dma_wait3A_84 : memref<1x128x32xf32, #tpu.memory_space<vmem>> -> memref<128x32xf32, #tpu.memory_space<vmem>>
        %dma_wait3A_86 = arith.constant 0 : i32
        %dma_wait3A_87 = tpu.memref_slice %arg5[%add3A_71, %dma_wait3A_86] : memref<104x128xi32, #tpu.memory_space<vmem>> -> memref<1x128xi32, #tpu.memory_space<vmem>>
        %dma_wait3A_88 = tpu.memref_squeeze %dma_wait3A_87 : memref<1x128xi32, #tpu.memory_space<vmem>> -> memref<128xi32, #tpu.memory_space<vmem>>
        %dma_wait3A_89 = arith.constant 0 : i32
        %dma_wait3A_90 = arith.constant 0 : i32
        %dma_wait3A_91 = tpu.memref_slice %arg2[%dma_wait3A_89, %dma_wait3A_90] : memref<2600000x32xf32, #tpu.memory_space<hbm>> -> memref<2600000x32xf32, #tpu.memory_space<hbm>>
        tpu.wait_indirect_dma semaphore(%arg7 : memref<!tpu.dma_semaphore, #tpu.memory_space<semaphore_mem>>) src(%dma_wait3A_91 : memref<2600000x32xf32, #tpu.memory_space<hbm>>) dst(%dma_wait3A_85 : memref<128x32xf32, #tpu.memory_space<vmem>>)
      } else {
      }
      %mul3A_42 = arith.constant 128 : i32
      %mul3A_43 = arith.muli %scan3A_31, %mul3A_42 : i32
      %add3A_44 = arith.addi %mul3A_2, %mul3A_43 : i32
      %dma_start3A_45 = arith.constant 0 : i32
      %dma_start3A_46 = arith.constant 0 : i32
      %dma_start3A_47 = tpu.memref_slice %arg6[%rem3A_33, %dma_start3A_45, %dma_start3A_46] : memref<2x128x32xf32, #tpu.memory_space<vmem>> -> memref<1x128x32xf32, #tpu.memory_space<vmem>>
      %dma_start3A_48 = tpu.memref_squeeze %dma_start3A_47 : memref<1x128x32xf32, #tpu.memory_space<vmem>> -> memref<128x32xf32, #tpu.memory_space<vmem>>
      %dma_start3A_49 = arith.constant 0 : i32
      %dma_start3A_50 = tpu.memref_slice %arg4[%add3A_44, %dma_start3A_49] : memref<425984x32xf32, #tpu.memory_space<hbm>> -> memref<128x32xf32, #tpu.memory_space<hbm>>
      %dma_start3A_51 = arith.constant 0 : i32
      %dma_start3A_52 = tpu.memref_slice %arg4[%add3A_44, %dma_start3A_51] : memref<425984x32xf32, #tpu.memory_space<hbm>> -> memref<128x32xf32, #tpu.memory_space<hbm>>
      %dma_start3A_53 = arith.constant 0 : i32
      %dma_start3A_54 = arith.constant 0 : i32
      %dma_start3A_55 = tpu.memref_slice %arg6[%rem3A_33, %dma_start3A_53, %dma_start3A_54] : memref<2x128x32xf32, #tpu.memory_space<vmem>> -> memref<1x128x32xf32, #tpu.memory_space<vmem>>
      %dma_start3A_56 = tpu.memref_squeeze %dma_start3A_55 : memref<1x128x32xf32, #tpu.memory_space<vmem>> -> memref<128x32xf32, #tpu.memory_space<vmem>>
      tpu.enqueue_dma source(%dma_start3A_56 : memref<128x32xf32, #tpu.memory_space<vmem>>) target(%dma_start3A_52 : memref<128x32xf32, #tpu.memory_space<hbm>>) target_semaphore(%arg8 : memref<!tpu.dma_semaphore, #tpu.memory_space<semaphore_mem>>)
      %dma_wait3A_57 = arith.constant 0 : i32
      %dma_wait3A_58 = arith.constant 0 : i32
      %dma_wait3A_59 = tpu.memref_slice %arg6[%rem3A_33, %dma_wait3A_57, %dma_wait3A_58] : memref<2x128x32xf32, #tpu.memory_space<vmem>> -> memref<1x128x32xf32, #tpu.memory_space<vmem>>
      %dma_wait3A_60 = tpu.memref_squeeze %dma_wait3A_59 : memref<1x128x32xf32, #tpu.memory_space<vmem>> -> memref<128x32xf32, #tpu.memory_space<vmem>>
      %dma_wait3A_61 = arith.constant 0 : i32
      %dma_wait3A_62 = tpu.memref_slice %arg4[%add3A_44, %dma_wait3A_61] : memref<425984x32xf32, #tpu.memory_space<hbm>> -> memref<128x32xf32, #tpu.memory_space<hbm>>
      %dma_wait3A_63 = arith.constant 0 : i32
      %dma_wait3A_64 = tpu.memref_slice %arg4[%add3A_44, %dma_wait3A_63] : memref<425984x32xf32, #tpu.memory_space<hbm>> -> memref<128x32xf32, #tpu.memory_space<hbm>>
      %dma_wait3A_65 = arith.constant 0 : i32
      %dma_wait3A_66 = arith.constant 0 : i32
      %dma_wait3A_67 = tpu.memref_slice %arg6[%rem3A_33, %dma_wait3A_65, %dma_wait3A_66] : memref<2x128x32xf32, #tpu.memory_space<vmem>> -> memref<1x128x32xf32, #tpu.memory_space<vmem>>
      %dma_wait3A_68 = tpu.memref_squeeze %dma_wait3A_67 : memref<1x128x32xf32, #tpu.memory_space<vmem>> -> memref<128x32xf32, #tpu.memory_space<vmem>>
      tpu.wait_dma2 semaphore(%arg8 : memref<!tpu.dma_semaphore, #tpu.memory_space<semaphore_mem>>) src(%dma_wait3A_68 : memref<128x32xf32, #tpu.memory_space<vmem>>) dst(%dma_wait3A_64 : memref<128x32xf32, #tpu.memory_space<hbm>>)
      %scan3A_69 = arith.constant 0 : i32
      scf.yield %scan3A_69 : i32
    }
    %scan3A_30 = arith.constant 104 : i32
    return
  }
}

module attributes {stable_mosaic.version = 14 : i64} {
  func.func @body(%arg0: i32, %arg1: memref<1024x832xf32, #tpu.memory_space<vmem>>, %arg2: memref<832x512xf32, #tpu.memory_space<vmem>>, %arg3: memref<1x512xf32, #tpu.memory_space<vmem>>, %arg4: memref<512x256xf32, #tpu.memory_space<vmem>>, %arg5: memref<1x256xf32, #tpu.memory_space<vmem>>, %arg6: memref<256x2xf32, #tpu.memory_space<vmem>>, %arg7: memref<1x2xf32, #tpu.memory_space<vmem>>, %arg8: memref<1024x2xf32, #tpu.memory_space<vmem>>) attributes {dimension_semantics = [#tpu.dimension_semantics<arbitrary>], iteration_bounds = array<i64: 16>, scalar_prefetch = 0 : i64, scratch_operands = 0 : i64, tpu.core_type = #tpu.core_type<tc>, window_params = [{transform_indices = @transform_0, window_bounds = array<i64: 1024, 832>}, {pipeline_mode = #tpu.pipeline_mode<synchronous>, transform_indices = @transform_1, window_bounds = array<i64: 832, 512>}, {pipeline_mode = #tpu.pipeline_mode<synchronous>, transform_indices = @transform_2, window_bounds = array<i64: 1, 512>}, {pipeline_mode = #tpu.pipeline_mode<synchronous>, transform_indices = @transform_3, window_bounds = array<i64: 512, 256>}, {pipeline_mode = #tpu.pipeline_mode<synchronous>, transform_indices = @transform_4, window_bounds = array<i64: 1, 256>}, {pipeline_mode = #tpu.pipeline_mode<synchronous>, transform_indices = @transform_5, window_bounds = array<i64: 256, 2>}, {pipeline_mode = #tpu.pipeline_mode<synchronous>, transform_indices = @transform_6, window_bounds = array<i64: 1, 2>}, {transform_indices = @transform_7, window_bounds = array<i64: 1024, 2>}]} {
    %get3A = arith.constant 0 : index
    %get3A_0 = arith.constant 0 : index
    %get3A_1 = vector.load %arg1[%get3A, %get3A_0] : memref<1024x832xf32, #tpu.memory_space<vmem>>, vector<1024x832xf32>
    %get3A_2 = arith.constant 0 : index
    %get3A_3 = arith.constant 0 : index
    %get3A_4 = vector.load %arg2[%get3A_2, %get3A_3] : memref<832x512xf32, #tpu.memory_space<vmem>>, vector<832x512xf32>
    %dot_general3A = arith.constant dense<0.000000e+00> : vector<1024x512xf32>
    %dot_general3A_5 = tpu.matmul %get3A_1, %get3A_4, %dot_general3A {dimension_numbers = #tpu.dot_dimension_numbers<[1], [0], [0], [1], [0, 0, 1, 1], [], []>, transpose_lhs_hint = false} : vector<1024x832xf32>, vector<832x512xf32>, vector<1024x512xf32> -> vector<1024x512xf32>
    %get3A_6 = arith.constant 0 : index
    %get3A_7 = arith.constant 0 : index
    %get3A_8 = vector.load %arg3[%get3A_6, %get3A_7] : memref<1x512xf32, #tpu.memory_space<vmem>>, vector<1x512xf32>
    %add3A = vector.broadcast %get3A_8 : vector<1x512xf32> to vector<1024x512xf32>
    %add3A_9 = arith.addf %dot_general3A_5, %add3A : vector<1024x512xf32>
    %max3A = arith.constant 0.000000e+00 : f32
    %max3A_10 = vector.broadcast %max3A : f32 to vector<1024x512xf32>
    %max3A_11 = arith.maximumf %add3A_9, %max3A_10 : vector<1024x512xf32>
    %get3A_12 = arith.constant 0 : index
    %get3A_13 = arith.constant 0 : index
    %get3A_14 = vector.load %arg4[%get3A_12, %get3A_13] : memref<512x256xf32, #tpu.memory_space<vmem>>, vector<512x256xf32>
    %dot_general3A_15 = arith.constant dense<0.000000e+00> : vector<1024x256xf32>
    %dot_general3A_16 = tpu.matmul %max3A_11, %get3A_14, %dot_general3A_15 {dimension_numbers = #tpu.dot_dimension_numbers<[1], [0], [0], [1], [0, 0, 1, 1], [], []>, transpose_lhs_hint = false} : vector<1024x512xf32>, vector<512x256xf32>, vector<1024x256xf32> -> vector<1024x256xf32>
    %get3A_17 = arith.constant 0 : index
    %get3A_18 = arith.constant 0 : index
    %get3A_19 = vector.load %arg5[%get3A_17, %get3A_18] : memref<1x256xf32, #tpu.memory_space<vmem>>, vector<1x256xf32>
    %add3A_20 = vector.broadcast %get3A_19 : vector<1x256xf32> to vector<1024x256xf32>
    %add3A_21 = arith.addf %dot_general3A_16, %add3A_20 : vector<1024x256xf32>
    %max3A_22 = arith.constant 0.000000e+00 : f32
    %max3A_23 = vector.broadcast %max3A_22 : f32 to vector<1024x256xf32>
    %max3A_24 = arith.maximumf %add3A_21, %max3A_23 : vector<1024x256xf32>
    %get3A_25 = arith.constant 0 : index
    %get3A_26 = arith.constant 0 : index
    %get3A_27 = vector.load %arg6[%get3A_25, %get3A_26] : memref<256x2xf32, #tpu.memory_space<vmem>>, vector<256x2xf32>
    %dot_general3A_28 = arith.constant dense<0.000000e+00> : vector<1024x2xf32>
    %dot_general3A_29 = tpu.matmul %max3A_24, %get3A_27, %dot_general3A_28 {dimension_numbers = #tpu.dot_dimension_numbers<[1], [0], [0], [1], [0, 0, 1, 1], [], []>, transpose_lhs_hint = false} : vector<1024x256xf32>, vector<256x2xf32>, vector<1024x2xf32> -> vector<1024x2xf32>
    %get3A_30 = arith.constant 0 : index
    %get3A_31 = arith.constant 0 : index
    %get3A_32 = vector.load %arg7[%get3A_30, %get3A_31] : memref<1x2xf32, #tpu.memory_space<vmem>>, vector<1x2xf32>
    %add3A_33 = vector.broadcast %get3A_32 : vector<1x2xf32> to vector<1024x2xf32>
    %add3A_34 = arith.addf %dot_general3A_29, %add3A_33 : vector<1024x2xf32>
    %logistic3A = arith.negf %add3A_34 : vector<1024x2xf32>
    %logistic3A_35 = math.exp %logistic3A : vector<1024x2xf32>
    %logistic3A_36 = arith.constant 1.000000e+00 : f32
    %logistic3A_37 = vector.broadcast %logistic3A_36 : f32 to vector<1024x2xf32>
    %logistic3A_38 = arith.addf %logistic3A_37, %logistic3A_35 : vector<1024x2xf32>
    %logistic3A_39 = arith.divf %logistic3A_37, %logistic3A_38 : vector<1024x2xf32>
    %slice3A = vector.extract_strided_slice %logistic3A_39 {offsets = [0, 0], sizes = [1024, 1], strides = [1, 1]} : vector<1024x2xf32> to vector<1024x1xf32>
    %slice3A_40 = vector.extract_strided_slice %logistic3A_39 {offsets = [0, 1], sizes = [1024, 1], strides = [1, 1]} : vector<1024x2xf32> to vector<1024x1xf32>
    %mul3A = arith.mulf %slice3A, %slice3A_40 : vector<1024x1xf32>
    %concatenate3A = tpu.concatenate %slice3A, %mul3A in 1 : vector<1024x1xf32>, vector<1024x1xf32> -> vector<1024x2xf32>
    %swap3A = arith.constant 0 : index
    %swap3A_41 = arith.constant 0 : index
    %swap3A_42 = vector.load %arg8[%swap3A, %swap3A_41] : memref<1024x2xf32, #tpu.memory_space<vmem>>, vector<1024x2xf32>
    tpu.vector_store %arg8[%swap3A, %swap3A_41], %concatenate3A {strides = array<i32>} : memref<1024x2xf32, #tpu.memory_space<vmem>>, vector<1024x2xf32>,
    return
  }
  func.func @transform_0(%arg0: i32) -> (i32, i32) {
    %c0_i32 = arith.constant 0 : i32
    %c0_i32_0 = arith.constant 0 : i32
    return %arg0, %c0_i32 : i32, i32
  }
  func.func @transform_1(%arg0: i32) -> (i32, i32) {
    %c0_i32 = arith.constant 0 : i32
    %c0_i32_0 = arith.constant 0 : i32
    %c0_i32_1 = arith.constant 0 : i32
    return %c0_i32, %c0_i32_0 : i32, i32
  }
  func.func @transform_2(%arg0: i32) -> (i32, i32) {
    %c0_i32 = arith.constant 0 : i32
    %c0_i32_0 = arith.constant 0 : i32
    %c0_i32_1 = arith.constant 0 : i32
    return %c0_i32, %c0_i32_0 : i32, i32
  }
  func.func @transform_3(%arg0: i32) -> (i32, i32) {
    %c0_i32 = arith.constant 0 : i32
    %c0_i32_0 = arith.constant 0 : i32
    %c0_i32_1 = arith.constant 0 : i32
    return %c0_i32, %c0_i32_0 : i32, i32
  }
  func.func @transform_4(%arg0: i32) -> (i32, i32) {
    %c0_i32 = arith.constant 0 : i32
    %c0_i32_0 = arith.constant 0 : i32
    %c0_i32_1 = arith.constant 0 : i32
    return %c0_i32, %c0_i32_0 : i32, i32
  }
  func.func @transform_5(%arg0: i32) -> (i32, i32) {
    %c0_i32 = arith.constant 0 : i32
    %c0_i32_0 = arith.constant 0 : i32
    %c0_i32_1 = arith.constant 0 : i32
    return %c0_i32, %c0_i32_0 : i32, i32
  }
  func.func @transform_6(%arg0: i32) -> (i32, i32) {
    %c0_i32 = arith.constant 0 : i32
    %c0_i32_0 = arith.constant 0 : i32
    %c0_i32_1 = arith.constant 0 : i32
    return %c0_i32, %c0_i32_0 : i32, i32
  }
  func.func @transform_7(%arg0: i32) -> (i32, i32) {
    %c0_i32 = arith.constant 0 : i32
    %c0_i32_0 = arith.constant 0 : i32
    return %arg0, %c0_i32 : i32, i32
  }
}

</mosaic_0001>

<sc_bundles>
// kernel: kernel.4.cloned.1.call-start
scs
__scs_entry_jumppad:
0x0: {  	(pc) =	sbr.rel $0x88, $3  }
0x1: {  	(tag) =	ssettag $0x0;
	lr =	simm.s32 $0x1  }
0x2: {  	[smem:$0x3F93] =	sst lr;
	_ =	strace $0xD0000000  }
0x3: {  	_ = 	snop  }
0x4: {  	_ = 	snop  }
0x5: {  	_ = 	snop  }
0x6: {  	_ = 	snop  }
0x7: {  	_ = 	snop  }
__scs_overlays_trampoline_lowered:
0x8: {  	[smem:$0x3FA2] =	sst s0  }
0x9: {  	[smem:$0x3FA3] =	sst s1  }
0xa: {  	[smem:$0x3FA4] =	sst s2  }
0xb: {  	[smem:$0x3FA5] =	sst s3  }
0xc: {  	[smem:$0x3FA6] =	sst s4  }
0xd: {  	[smem:$0x3FA7] =	sst s5  }
0xe: {  	[smem:$0x3FA8] =	sst s6  }
0xf: {  	[smem:$0x3FA9] =	sst s7  }
0x10: {  	[smem:$0x3FAA] =	sst s8  }
0x11: {  	[smem:$0x3FAB] =	sst s9;
	s0 =	simm.s32 @!p0 $0x0  }
0x12: {  	s1 =	sld [smem:$0x3F91];
	s0 =	simm.s32 @p0 $0x1  }
0x13: {  	[smem:$0x3FAC] =	sst s0;
	s0 =	simm.s32 @!p1 $0x0  }
0x14: {  	s2 =	sld [smem:$0x3F90];
	s0 =	simm.s32 @p1 $0x1  }
0x15: {  	[smem:$0x3FAD] =	sst s0;
	s0 =	simm.s32 @!p2 $0x0  }
0x16: {  	s3 =	sld [smem:$0x3FDB];
	s0 =	simm.s32 @p2 $0x1  }
0x17: {  	s4 =	simm.s32 $0x1BF5;
	[smem:$0x3FAF] =	sst s0  }
0x18: {  	s0 =	sld [smem:$0x3F92];
	_ =	swait.ge [sflag:s4], $0x0  }
0x19: {  	s7 =	sld [smem:$0x3F93]  }
0x1a: {  	s8 =	sadd.s32 $0xFFFFE003, lr  }
0x1b: {  	s9 =	sadd.s32 $0xFFFFFEF7, lr;
	s5 =	simm.s32 $0xFFFFFFFF;
	p2 =	slt.u32 s8, $0xFFFFF086  }
0x1c: {  	p1 =	slt.u32 s9, $0xF7A;
	s5 =	simm.s32 @!p2 $0x0  }
0x1d: {  	s5 =	simm.s32 @p1 $0x1;
	p0 =	seq.s32 s7, s2  }
0x1e: {  	s7 =	smul.u32 @!p0 $0xF7A, s2;
	p2 =	seq.s32 @!p0 s5, $0x0  }
0x1f: {  	s9 =	smul.u32 $0xF7A, s1;
	s8 =	simm.s32 @!p0 $0x1BF5;
	p2 =	por !p2, p0  }
0x20: {  	[sflag:s8] =	ssyncset.s32 @!p0 $0xFFFFF086;
	s6 =	sadd.s32 @!p0 s3, s7;
	s7 =	simm.s32 @!p0 $0x108  }
0x21: {  	s3 =	sadd.s32 s3, s9;
	s6 =	sadd.s32 @!p0 $0x88, s6;
	s7 =	simm.s32 @p2 $0x1082  }
0x22: {  	[simem:s7], [sflag:s8] =	dma.local @!p0 [hbm:s6], $0xF7A  }
0x23: {  	s9 =	sor.u32 $0xD0000000, s2;
	s6 =	simm.s32 $0x108;
	_ =	swait.ge @!p0 [sflag:s8], $0x0  }
0x24: {  	s3 =	sadd.s32 $0x88, s3;
	s6 =	simm.s32 @!p1 $0x1082;
	[sflag:s4] =	ssyncset.s32 $0xFFFFF086  }
0x25: {  	[simem:s6], [sflag:s4] =	dma.local [hbm:s3], $0xF7A  }
0x26: {  	[smem:$0x3F93] =	sst s1;
	(tag) =	ssettag s2;
	_ =	strace s9  }
0x27: {  	s1 =	sld [smem:$0x3FA3]  }
0x28: {  	s2 =	sld [smem:$0x3FA4]  }
0x29: {  	s4 =	sld [smem:$0x3FA6]  }
0x2a: {  	p0 =	seq.s32 s5, $0x0;
	s5 =	sld [smem:$0x3FA7]  }
0x2b: {  	s6 =	sld [smem:$0x3FA8]  }
0x2c: {  	s7 =	sld [smem:$0x3FA9]  }
0x2d: {  	s3 =	simm.s32 $0x108;
	s8 =	sld [smem:$0x3FAA]  }
0x2e: {  	s3 =	simm.s32 @!p0 $0x1082;
	s9 =	sld [smem:$0x3FAB]  }
0x2f: {  	lr =	sadd.s32 s0, s3;
	s0 =	sld [smem:$0x3FA2]  }
0x30: {  	s3 =	sld [smem:$0x3FA5]  }
0x31: {  	[smem:$0x3FAE] =	sst s10  }
0x32: {  	s10 =	sld [smem:$0x3FAC];
	_ =	sdelay $0x3  }
0x33: {  	p0 =	seq.s32 s10, $0x1;
	s10 =	sld [smem:$0x3FAE];
	_ =	sdelay $0x3  }
0x34: {  	[smem:$0x3FAE] =	sst s10  }
0x35: {  	s10 =	sld [smem:$0x3FAD];
	_ =	sdelay $0x3  }
0x36: {  	p1 =	seq.s32 s10, $0x1;
	s10 =	sld [smem:$0x3FAE];
	_ =	sdelay $0x3  }
0x37: {  	[smem:$0x3FAE] =	sst s10  }
0x38: {  	s10 =	sld [smem:$0x3FAF]  }
0x39: {  	_ = 	snop;
	(pc) =	sbr.ind lr, $3  }
0x3a: {  	_ = 	snop  }
0x3b: {  	_ = 	snop  }
0x3c: {  	p2 =	seq.s32 s10, $0x1;
	s10 =	sld [smem:$0x3FAE]  }
0x3d: {  	_ =	shalt  }
0x3e: {  	_ =	shalt  }
0x3f: {  	_ =	shalt  }
0x40: {  	_ =	shalt  }
0x41: {  	_ =	shalt  }
0x42: {  	_ =	shalt  }
0x43: {  	_ =	shalt  }
0x44: {  	_ =	shalt  }
0x45: {  	_ =	shalt  }
0x46: {  	_ =	shalt  }
0x47: {  	_ =	shalt  }
0x48: {  	_ =	shalt  }
0x49: {  	_ =	shalt  }
0x4a: {  	_ =	shalt  }
0x4b: {  	_ =	shalt  }
0x4c: {  	_ =	shalt  }
0x4d: {  	_ =	shalt  }
0x4e: {  	_ =	shalt  }
0x4f: {  	_ =	shalt  }
0x50: {  	_ =	shalt  }
0x51: {  	_ =	shalt  }
0x52: {  	_ =	shalt  }
0x53: {  	_ =	shalt  }
0x54: {  	_ =	shalt  }
0x55: {  	_ =	shalt  }
0x56: {  	_ =	shalt  }
0x57: {  	_ =	shalt  }
0x58: {  	_ =	shalt  }
0x59: {  	_ =	shalt  }
0x5a: {  	_ =	shalt  }
0x5b: {  	_ =	shalt  }
0x5c: {  	_ =	shalt  }
0x5d: {  	_ =	shalt  }
0x5e: {  	_ =	shalt  }
0x5f: {  	_ =	shalt  }
0x60: {  	_ =	shalt  }
0x61: {  	_ =	shalt  }
0x62: {  	_ =	shalt  }
0x63: {  	_ =	shalt  }
0x64: {  	_ =	shalt  }
0x65: {  	_ =	shalt  }
0x66: {  	_ =	shalt  }
0x67: {  	_ =	shalt  }
0x68: {  	_ =	shalt  }
0x69: {  	_ =	shalt  }
0x6a: {  	_ =	shalt  }
0x6b: {  	_ =	shalt  }
0x6c: {  	_ =	shalt  }
0x6d: {  	_ =	shalt  }
0x6e: {  	_ =	shalt  }
0x6f: {  	_ =	shalt  }
0x70: {  	_ =	shalt  }
0x71: {  	_ =	shalt  }
0x72: {  	_ =	shalt  }
0x73: {  	_ =	shalt  }
0x74: {  	_ =	shalt  }
0x75: {  	_ =	shalt  }
0x76: {  	_ =	shalt  }
0x77: {  	_ =	shalt  }
0x78: {  	_ =	shalt  }
0x79: {  	_ =	shalt  }
0x7a: {  	_ =	shalt  }
0x7b: {  	_ =	shalt  }
0x7c: {  	_ =	shalt  }
0x7d: {  	_ =	shalt  }
0x7e: {  	_ =	shalt  }
0x7f: {  	_ =	shalt  }
0x80: {  	_ =	shalt  }
0x81: {  	_ =	shalt  }
0x82: {  	_ =	shalt  }
0x83: {  	_ =	shalt  }
0x84: {  	_ =	shalt  }
0x85: {  	_ =	shalt  }
0x86: {  	_ =	shalt  }
0x87: {  	_ =	shalt  }
.Lfunc_end0:
.L_simem_size_0:
called_computation_lowered:
.L_overlay_start_0:
0x88: {  	s2 =	sld [smem:$0x3FD9]  }
0x89: {  	s3 =	sld [smem:$0x3FFE];
	_ =	sdelay $0x1  }
0x8a: {  	s1 =	srdreg.scid  }
0x8b: {  	s0 =	sand.u32 $0x1, s1  }
0x8c: {  	s16 =	sshll.u32 s0, $0xA;
	s2 =	sadd.s32 s3, s2  }
0x8d: {  	s2 =	sadd.s32 s2, s16  }
0x8e: {  	[smem:$0x3FBA] =	sst s2  }
0x8f: {  	_ = 	snop  }
0x90: {  	(tm) =	ssettm $0x1  }
0x91: {  	s17 =	sld [smem:$0x3FFB];
	_ =	sdelay $0x3  }
0x92: {  	_ =	strace s17  }
0x93: {  	s2 =	sld [smem:$0x3FFC];
	_ =	sdelay $0x3  }
0x94: {  	_ =	strace s2  }
0x95: {  	s2 =	sld [smem:$0x3FFD];
	_ =	sdelay $0x3  }
0x96: {  	_ =	strace s2  }
0x97: {  	_ =	strace $0x8FFFFFFF  }
0x98: {  	s18 =	sld [smem:$0x3FDB];
	_ =	sdelay $0x1  }
0x99: {  	s19 =	simm.s32 $_scs_section_size  }
0x9a: {  	s4 =	simm.s32 $_size__tile_overlayer_lowered;
	s5 =	simm.s32 $_tile_overlayer_lowered  }
0x9b: {  	s22 =	simm.s32 $0x1BFF;
	s21 =	sshll.u32 s5, $0x1;
	s2 =	sadd.s32 s19, s18  }
0x9c: {  	s6 =	simm.s32 $0x0;
	s20 =	sshll.u32 s4, $0x1;
	s4 =	sadd.s32 s21, s2  }
0x9d: {  	[timem:s6], [sflag:s22] =	dma.local [hbm:s4], s20  }
0x9e: {  	_ =	swait.ge [sflag:s22], s20  }
0x9f: {  	s3 =	ssub.s32 $0x0, s20;
	[sflag:s22] =	ssyncset.done $0x0  }
0xa0: {  	[sflag:s22] =	ssyncadd.s32 s3;
	_ =	sdelay $0x1  }
0xa1: {  	s23 =	simm.s32 $0x1B8B  }
0xa2: {  	_ =	swait.ge [sflag:s23], $0x1  }
0xa3: {  	[sflag:s23] =	ssyncset.done $0x0  }
0xa4: {  	s25 =	simm.s32 $0x1B8E;
	s24 =	sld [smem:$0x3FFE];
	[sflag:s23] =	ssyncadd.s32 $0xFFFFFFFF  }
0xa5: {  	s26 =	simm.s32 $execute0_lowered;
	[smem:$0x3FD2] =	sst s25  }
0xa6: {  	s4 =	sshll.u32 s26, $0x1;
	_ =	strace $0x80000046;
	[dreg:$0x1] =	wrdreg $0xFFFFFFFF  }
0xa7: {  	s28 =	simm.s32 $_size_execute0_lowered;
	s2 =	sadd.s32 s2, s4;
	[dreg:$0x0] =	wrdreg $0x0  }
0xa8: {  	s4 =	sshll.u32 s28, $0x1;
	[dreg:$0x2] =	wrdreg s2  }
0xa9: {  	[dreg:$0x3] =	wrdreg s4  }
0xaa: {  	[dreg:$0x4] =	wrdreg $0xC0  }
0xab: {  	_ =	task [dreg:s6], $0x5FFFF  }
0xac: {  	[dreg:$0x1] =	wrdreg $0xFFFFFFFF  }
0xad: {  	[dreg:$0x0] =	wrdreg $0x60  }
0xae: {  	[dreg:$0x2] =	wrdreg s24  }
0xaf: {  	[dreg:$0x3] =	wrdreg $0x9  }
0xb0: {  	_ =	task.clear_ibuf [dreg:s6], $0x4FFFF;
	_ =	strace $0x90000046  }
0xb1: {  	s29 =	simm.s32 $0x9;
	_ =	strace $0x80000048  }
0xb2: {  	_ =	swait.ge [sflag:s29], $0x1  }
0xb3: {  	[sflag:s29] =	ssyncadd.s32 $0xFFFFFFFF  }
0xb4: {  	_ =	strace $0x90000048  }
0xb5: {  	_ =	sfence  }
0xb6: {  	s30 =	sld [smem:$0x0];
	_ =	sdelay $0x2  }
0xb7: {  	s31 =	sshll.u32 s1, $0xD;
	s1 =	sshrl.u32 s1, $0x2  }
0xb8: {  	s3 =	sand.u32 $0x4000, s31;
	s1 =	sadd.s32 s1, s30  }
0xb9: {  	s0 =	sor.u32 s3, s0;
	s1 =	sshll.u32 s1, $0x11  }
0xba: {  	s0 =	sor.u32 s1, s0  }
0xbb: {  	s0 =	sadd.s32 $0x8F2B, s0  }
0xbc: {  	[sflag:s0] =	ssyncadd.remote.s32 $0x1  }
0xbd: {  	_ =	sfence.sel $0xFFFF  }
0xbe: {  	[dreg:$0x0] =	wrdreg $0xFFFFFFFF;
	(pc) =	sbr.abs _section_cstart, $3  }
0xbf: {  	[dreg:$0x1] =	wrdreg $0xFFFFFFFF  }
0xc0: {  	_ =	task.clear_ibuf [dreg:s6], $0x2FFFF;
	_ =	strace $0x9FFFFFFF  }
0xc1: {  	(tm) =	ssettm $0x7FFFFFFF  }
tec
execute0_lowered:
.L_overlay_start_1:
0x0: {  	(tag) =	ssettag $0x1  }
0x1: {  	s1 =	srdreg.scid;
	s0 =	stileid.u32  }
0x2: {  	s5 =	rddreg [dreg:$0x0];
	s2 =	simm.s32 $0x0;
	s13 =	simm.s32 $0x4400  }
0x3: {  	s14 =	simm.s32 $0x0;
	s4 =	sand.u32 $0x1, s1;
	s1 =	rddreg [dreg:$0x1]  }
0x4: {  	s26 =	sshll.u32 s0, $0x1;
	[smem:$0x7FF] =	sst s2;
	s9 =	smul.u32 $0xD0000, s0  }
0x5: {  	s12 =	sadd.s32 $0xEC00, s5;
	s3 =	sor.u32 s4, s26;
	s11 =	smul.u32 $0x68000, s4  }
0x6: {  	_ =	strace $0x80000047;
	s8 =	ssub.s32 $0x2, s4;
	s6 =	smul.u32 $0x680, s3  }
0x7: {  	s7 =	smul.u32 $0x68000, s3;
	s3 =	sadd.s32 $0x27AE000, s5;
	s10 =	sshrl.u32 s8, $0x1  }
0x8: {  	s29 =	ssub.s32 s8, s10;
	s31 =	sadd.s32 s11, s9;
	s8 =	simm.s32 $0x3  }
0x9: {  	s9 =	simm.s32 $0x3400;
	s10 =	simm.s32 $0x1;
	s11 =	simm.s32 $0x80  }
0xa: {  	s28 =	sadd.s32 s6, s5;
	s30 =	sshrl.u32 s7, $0x3;
	s5 =	smax.u32 s29, $0x1  }
0xb: {  	s7 =	sshrl.u32 s31, $0x3;
	s4 =	sadd.s32 $0x1C00, s28;
	s6 =	sadd.s32 s12, s30  }
0xc: {  	s7 =	sadd.s32 s7, s12;
	s12 =	simm.s32 $0x2;
	s6 =	sadd.s32 $0xCE00, s6  }
.LBB2_1:
0xd: {  	[tilespmem:s2], [sflag:$0x3] =	stream.linear.gather [hbm4b:s4+s2], $0x3400, $0x38;
	[tilespmem:$0x5400] =	vst v63  }
0xe: {  	_ =	swait.ge [sflag:s8], $0x3400  }
0xf: {  	[sflag:s8] =	ssyncset.done $0x0  }
0x10: {  	s15 =	simm.s32 $0x4000;
	[sflag:s8] =	ssyncadd.s32 $0xFFFFCC00  }
0x11: {  	[tilespmem:s9], [sflag:$0x1] =	stream.indirect.gather [hbm4b:s3+s11], $0x20, s2, s11, $0xb8;
	[tilespmem:$0x5400] =	vst v63  }
0x12: {  	s15 =	sand.u32 $0x4000, s15;
	_ =	swait.ge [sflag:s10], $0x1000  }
0x13: {  	s15 =	sshrl.u32 s15, $0x2;
	[sflag:s10] =	ssyncset.done $0x0  }
0x14: {  	s16 =	simm.s32 $0x0;
	s15 =	sadd.s32 $0x3400, s15;
	[sflag:s10] =	ssyncadd.s32 $0xFFFFF000  }
0x15: {  	[tilespmem:s15], [sflag:$0x1] =	stream.indirect.gather [hbm4b:s3+s11], $0x20, s11, s11, $0xb8;
	[tilespmem:$0x5400] =	vst v63  }
0x16: {  	s16 =	sand.u32 $0x4000, s16;
	_ =	swait.ge [sflag:s10], $0x1000  }
0x17: {  	s18 =	simm.s32 $0xC000;
	s16 =	sshrl.u32 s16, $0x2;
	[sflag:s10] =	ssyncset.done $0x0  }
0x18: {  	s16 =	sadd.s32 $0x3400, s16;
	s15 =	simm.s32 $0x8000;
	[sflag:s10] =	ssyncadd.s32 $0xFFFFF000  }
0x19: {  	[hbm4b:s7+s2] =	stream.linear.scatter [tilespmem:s16], [sflag:$0x2], $0x1000, $0x38;
	[tilespmem:$0x5400] =	vst v63  }
0x1a: {  	s17 =	simm.s32 $0x100;
	s31 =	sand.u32 $0x4000, s15;
	_ =	swait.ge [sflag:s12], $0x1000  }
0x1b: {  	s19 =	sshrl.u32 s31, $0x2;
	s16 =	sadd.s32 $0x200, s7;
	[sflag:s12] =	ssyncset.done $0x0  }
.LBB2_2:
0x1c: {  	s19 =	sadd.s32 $0x3400, s19;
	s20 =	sadd.s32 $0xFFFFC000, s15  }
0x1d: {  	[sflag:s12] =	ssyncadd.s32 $0xFFFFF000;
	s15 =	smov.u32 s18;
	s21 =	sadd.s32 $0x4000, s18  }
0x1e: {  	[tilespmem:s19], [sflag:$0x1] =	stream.indirect.gather [hbm4b:s3+s11], $0x20, s17, s11, $0xb8;
	[tilespmem:$0x5400] =	vst v63  }
0x1f: {  	p0 =	sne.s32 s18, $0x19C000;
	s19 =	sand.u32 $0x4000, s20;
	_ =	swait.ge [sflag:s10], $0x1000  }
.Ltmp0:
0x20: {  	s19 =	sshrl.u32 s19, $0x2;
	[sflag:s10] =	ssyncset.done $0x0;
	(pc) =	sbr.rel @p0 .LBB2_2-.Ltmp0, $4  }
0x21: {  	s17 =	sadd.s32 $0x80, s17;
	s18 =	sadd.s32 $0x3400, s19;
	[sflag:s10] =	ssyncadd.s32 $0xFFFFF000  }
0x22: {  	[hbm4b:s16+s2] =	stream.linear.scatter [tilespmem:s18], [sflag:$0x2], $0x1000, $0x38;
	[tilespmem:$0x5400] =	vst v63  }
0x23: {  	s18 =	sand.u32 $0x4000, s15;
	s16 =	sadd.s32 $0x200, s16;
	_ =	swait.ge [sflag:s12], $0x1000  }
0x24: {  	s19 =	sshrl.u32 s18, $0x2;
	s18 =	smov.u32 s21;
	[sflag:s12] =	ssyncset.done $0x0  }
0x25: {  	s18 =	sadd.s32 $0x3400, s19;
	s15 =	sadd.s32 $0xFFFFC000, s15;
	[sflag:s12] =	ssyncadd.s32 $0xFFFFF000  }
0x26: {  	[tilespmem:s18], [sflag:$0x1] =	stream.indirect.gather [hbm4b:s3+s11], $0x20, s17, s11, $0xb8;
	[tilespmem:$0x5400] =	vst v63  }
0x27: {  	s15 =	sand.u32 $0x4000, s15;
	_ =	swait.ge [sflag:s10], $0x1000  }
0x28: {  	s15 =	sshrl.u32 s15, $0x2;
	[sflag:s10] =	ssyncset.done $0x0  }
0x29: {  	s15 =	sadd.s32 $0x3400, s15;
	[sflag:s10] =	ssyncadd.s32 $0xFFFFF000  }
0x2a: {  	[hbm4b:s16+s2] =	stream.linear.scatter [tilespmem:s15], [sflag:$0x2], $0x1000, $0x38;
	[tilespmem:$0x5400] =	vst v63  }
0x2b: {  	s14 =	sadd.s32 $0x1, s14;
	_ =	swait.ge [sflag:s12], $0x1000  }
0x2c: {  	p0 =	sne.s32 s14, s5;
	[sflag:s12] =	ssyncset.done $0x0  }
.Ltmp1:
0x2d: {  	[sflag:s12] =	ssyncadd.s32 $0xFFFFF000;
	(pc) =	sbr.rel @p0 .LBB2_1-.Ltmp1, $4  }
0x2e: {  	[hbm4b:s6+s2] =	stream.linear.scatter [tilespmem:s13], [sflag:$0x2], $0x1000, $0x38;
	[tilespmem:$0x5400] =	vst v63  }
0x2f: {  	_ =	swait.ge [sflag:s12], $0x1000  }
0x30: {  	[sflag:s12] =	ssyncset.done $0x0  }
0x31: {  	[sflag:s12] =	ssyncadd.s32 $0xFFFFF000  }
0x32: {  	_ =	sfence.sel $0x180000  }
0x33: {  	[bflag:$0x0] =	sbarrier.arrive $0xFFFF  }
0x34: {  	p0 =	sne.s32 s0, $0x0;
	_ =	strace $0x90000047  }
0x35: {  	s0 =	sadd.s32 @!p0 $0x100000, s1;
	[bflag:$0x2] =	sbarrier.arrive $0xFFFF  }
0x36: {  	[sflag:s0] =	ssyncadd.tile.s32 @!p0 $0x1;
	_ =	shalt  }
.Lfunc_end2:
_tile_overlayer_lowered:
.L_overlay_start_2:
0x37: {  	(tag) =	ssettag $0x2  }
0x38: {  	s0 =	rddreg [dreg:$0x0];
	s2 =	stileid.u32  }
0x39: {  	s1 =	rddreg [dreg:$0x1];
	p0 =	sne.s32 s2, $0x0  }
0x3a: {  	s3 =	rddreg [dreg:$0x2];
	[bflag:$0x3] =	sbarrier.arrive $0xFFFF;
	s2 =	simm.s32 @!p0 $0x1C03  }
0x3b: {  	[timem:s3], [sflag:s2] =	dma.local @!p0 [hbm:s0], s1  }
0x3c: {  	s0 =	simm.s32 @!p0 $0x3  }
0x3d: {  	_ =	swait.ge @!p0 [sflag:s0], s1  }
0x3e: {  	s1 =	ssub.s32 @!p0 $0x0, s1;
	[sflag:s0] =	ssyncset.done @!p0 $0x0  }
0x3f: {  	[sflag:s0] =	ssyncadd.s32 @!p0 s1  }
0x40: {  	[bflag:$0x3] =	sbarrier.arrive $0xFFFF  }
0x41: {  	_ =	shalt  }

</sc_bundles>
